<compile_context>
chip_gen: v7x
topology: tpu7x:2x2x1
jax: 0.10.2.dev20260603
libtpu: 0.0.44.dev20260713+nightly
codegen_flags: <defaults>
</compile_context>

<pallas_src>
import functools

import jax
import jax.numpy as jnp
from jax.experimental import pallas as pl

_HIGH = jax.lax.Precision.HIGHEST
_INTERPRET = False


def _router_body(logits_ref, dest_ref, scale_ref, aux_ref, *, T, E, K, CAP, TRASH):
    logits = logits_ref[...]
    iota_e = jax.lax.broadcasted_iota(jnp.int32, (T, E), 1)
    m1 = jnp.max(logits, axis=1, keepdims=True)
    a1 = jnp.min(jnp.where(logits == m1, iota_e, E), axis=1, keepdims=True)
    neg = jnp.float32(-jnp.inf)
    masked = jnp.where(iota_e == a1, neg, logits)
    m2 = jnp.max(masked, axis=1, keepdims=True)
    a2 = jnp.min(jnp.where(masked == m2, iota_e, E), axis=1, keepdims=True)
    z = jnp.exp(m2 - m1)
    g1 = 1.0 / (1.0 + z)
    g2 = z / (1.0 + z)
    p = jnp.exp(logits - m1)
    probs = p / jnp.sum(p, axis=1, keepdims=True)
    imp = jnp.mean(probs, axis=0, keepdims=True)
    oh1 = (iota_e == a1).astype(jnp.float32)
    oh2 = (iota_e == a2).astype(jnp.float32)
    c = oh1 + oh2
    counts = jnp.sum(c, axis=0, keepdims=True)
    aux_ref[...] = jnp.reshape(E * jnp.sum(imp * counts) / (T * K), (1, 1))
    s = c
    sh = 1
    while sh < T:
        s = s + jnp.concatenate(
            [jnp.zeros((sh, E), jnp.float32), s[: T - sh]], axis=0)
        sh *= 2
    cex = s - c
    pos1 = jnp.sum(cex * oh1, axis=1, keepdims=True).astype(jnp.int32)
    pos2 = jnp.sum(cex * oh2, axis=1, keepdims=True).astype(jnp.int32)
    keep1 = pos1 < CAP
    keep2 = pos2 < CAP
    d1 = jnp.where(keep1, a1 * CAP + jnp.minimum(pos1, CAP - 1), TRASH)
    d2 = jnp.where(keep2, a2 * CAP + jnp.minimum(pos2, CAP - 1), TRASH)
    dest_ref[...] = jnp.concatenate([d1, d2], axis=1)
    scale_ref[...] = jnp.concatenate(
        [jnp.where(keep1, g1, 0.0), jnp.where(keep2, g2, 0.0)], axis=1)


def _ffn_body(buf_ref, w1_ref, w2_ref, y_ref):
    f = pl.program_id(1)
    h = jax.nn.gelu(jax.lax.dot_general(
        buf_ref[...], w1_ref[0], (((1,), (0,)), ((), ())),
        preferred_element_type=jnp.float32))
    contrib = jax.lax.dot_general(
        h, w2_ref[0], (((1,), (0,)), ((), ())),
        preferred_element_type=jnp.float32)

    @pl.when(f == 0)
    def _():
        y_ref[...] = contrib

    @pl.when(f != 0)
    def _():
        y_ref[...] = y_ref[...] + contrib


def kernel(hidden_states, w_router, w1, w2):
    T, D = hidden_states.shape
    E = w_router.shape[1]
    F = w1.shape[2]
    K = 2
    CAP = int(T * K / E * 1.25)
    TRASH = E * CAP
    NPAD = 8

    logits = hidden_states @ w_router

    dest, scale, aux = pl.pallas_call(
        functools.partial(_router_body, T=T, E=E, K=K, CAP=CAP, TRASH=TRASH),
        out_shape=(
            jax.ShapeDtypeStruct((T, K), jnp.int32),
            jax.ShapeDtypeStruct((T, K), jnp.float32),
            jax.ShapeDtypeStruct((1, 1), jnp.float32),
        ),
        interpret=_INTERPRET,
    )(logits)

    dest_f = dest.reshape(T * K)
    scale_f = scale.reshape(T * K)

    hs_dup = jnp.repeat(hidden_states, K, axis=0)
    buf = jnp.zeros((TRASH + NPAD, D), jnp.float32).at[dest_f].set(hs_dup)

    FB = min(F, 1024)
    NF = F // FB
    y = pl.pallas_call(
        _ffn_body,
        grid=(E, NF),
        in_specs=[
            pl.BlockSpec((CAP, D), lambda e, f: (e, 0)),
            pl.BlockSpec((1, D, FB), lambda e, f: (e, 0, f)),
            pl.BlockSpec((1, FB, D), lambda e, f: (e, f, 0)),
        ],
        out_specs=pl.BlockSpec((CAP, D), lambda e, f: (e, 0)),
        out_shape=jax.ShapeDtypeStruct((E * CAP, D), jnp.float32),
        interpret=_INTERPRET,
    )(buf, w1, w2)

    ypad = jnp.concatenate([y, jnp.zeros((NPAD, D), jnp.float32)], axis=0)
    gathered = ypad[dest_f]
    contrib = jnp.where((scale_f != 0.0)[:, None], gathered * scale_f[:, None], 0.0)
    out = jnp.sum(contrib.reshape(T, K, D), axis=1)
    return out, aux.reshape(())

# --- scband reference (transcript-rebuilt; emitter-appended) ---
"""Pipeline reference for scband-sglang-mo-ewrapper-73882027426290 (READ-ONLY COPY).

The authoritative reference and input builder live on the scoring server;
editing this copy changes nothing except your own understanding.
"""

import jax, jax.numpy as jnp
import numpy as np

T = 2048
D = 1024
F = 4096
E = 8
K = 2
CAP = int(T * K / E * 1.25)


def setup_inputs(seed: int = 0) -> dict:
    key = jax.random.key(seed)
    k1, k2, k3, k4 = jax.random.split(key, 4)
    hidden_states = jax.random.normal(k1, (T, D), dtype=jnp.float32)
    w_router = jax.random.normal(k2, (D, E), dtype=jnp.float32) * (1.0 / np.sqrt(D))
    w1 = jax.random.normal(k3, (E, D, F), dtype=jnp.float32) * (1.0 / np.sqrt(D))
    w2 = jax.random.normal(k4, (E, F, D), dtype=jnp.float32) * (1.0 / np.sqrt(F))
    return {"hidden_states": hidden_states, "w_router": w_router, "w1": w1, "w2": w2}


def _moe_forward(hidden_states, w_router, w1, w2):
    T_, D_ = hidden_states.shape
    logits = hidden_states @ w_router                                  # [T, E]
    topk_vals, topk_idx = jax.lax.top_k(logits, K)                     # [T, K]
    gates = jax.nn.softmax(topk_vals, axis=-1)                         # [T, K]
    # switch-style load-balancing aux loss
    probs = jax.nn.softmax(logits, axis=-1)                            # [T, E]
    importance = probs.mean(axis=0)                                    # [E]
    counts = jnp.zeros((E,), jnp.float32).at[topk_idx.reshape(-1)].add(1.0)
    load = counts / (T_ * K)
    aux_loss = E * jnp.sum(importance * load)
    # capacity-based dispatch
    flat_expert = topk_idx.reshape(-1)                                 # [T*K]
    flat_gate = gates.reshape(-1)                                      # [T*K]
    flat_tok = jnp.repeat(jnp.arange(T_), K)                           # [T*K]
    onehot = jax.nn.one_hot(flat_expert, E, dtype=jnp.float32)         # [T*K, E]
    pos = jnp.cumsum(onehot, axis=0) - 1.0
    pos_in_e = jnp.sum(pos * onehot, axis=1).astype(jnp.int32)         # [T*K]
    keep = (pos_in_e < CAP).astype(jnp.float32)
    pos_c = jnp.minimum(pos_in_e, CAP - 1)
    buf = jnp.zeros((E, CAP, D_), jnp.float32)
    buf = buf.at[flat_expert, pos_c].add(hidden_states[flat_tok] * keep[:, None])
    h = jax.nn.gelu(jnp.einsum('ecd,edf->ecf', buf, w1))               # [E, CAP, F]
    y = jnp.einsum('ecf,efd->ecd', h, w2)                              # [E, CAP, D]
    gathered = y[flat_expert, pos_c]                                   # [T*K, D]
    out = jnp.zeros((T_, D_), jnp.float32).at[flat_tok].add(gathered * (flat_gate * keep)[:, None])
    return out, aux_loss


def reference(hidden_states, w_router, w1, w2):
    return _moe_forward(hidden_states, w_router, w1, w2)

if __name__ == "__main__":
    import jax
    _d = setup_inputs()
    print(jax.jit(kernel)(*tuple(_d.values())))

</pallas_src>

<mosaic_0001>
module attributes {stable_mosaic.version = 14 : i64} {
  func.func @_router_body(%arg0: memref<2048x8xf32, #tpu.memory_space<vmem>>, %arg1: memref<2048x2xi32, #tpu.memory_space<vmem>>, %arg2: memref<2048x2xf32, #tpu.memory_space<vmem>>, %arg3: memref<1x1xf32, #tpu.memory_space<vmem>>) attributes {dimension_semantics = [], scalar_prefetch = 0 : i64, scratch_operands = 0 : i64, tpu.core_type = #tpu.core_type<tc>} {
    %get3A = arith.constant 0 : index
    %get3A_0 = arith.constant 0 : index
    %get3A_1 = vector.load %arg0[%get3A, %get3A_0] : memref<2048x8xf32, #tpu.memory_space<vmem>>, vector<2048x8xf32>
    %iota3A = tpu.iota {dimensions = array<i32: 1>} : vector<2048x8xi32>
    %reduce_max3A = arith.constant dense<0xFF800000> : vector<2048xf32>
    %reduce_max3A_2 = vector.multi_reduction <maximumf>, %get3A_1, %reduce_max3A [1] : vector<2048x8xf32> to vector<2048xf32>
    %broadcast_in_dim3A = vector.shape_cast %reduce_max3A_2 : vector<2048xf32> to vector<2048x1xf32>
    %eq3A = vector.broadcast %broadcast_in_dim3A : vector<2048x1xf32> to vector<2048x8xf32>
    %eq3A_3 = arith.cmpf oeq, %get3A_1, %eq3A : vector<2048x8xf32>
    %jit3A = arith.constant 8 : i32
    %broadcast_in_dim3A_4 = vector.broadcast %jit3A : i32 to vector<2048x8xi32>
    %select_n3A = arith.select %eq3A_3, %iota3A, %broadcast_in_dim3A_4 : vector<2048x8xi1>, vector<2048x8xi32>
    %reduce_min3A = arith.constant dense<2147483647> : vector<2048xi32>
    %reduce_min3A_5 = vector.multi_reduction <minsi>, %select_n3A, %reduce_min3A [1] : vector<2048x8xi32> to vector<2048xi32>
    %broadcast_in_dim3A_6 = vector.shape_cast %reduce_min3A_5 : vector<2048xi32> to vector<2048x1xi32>
    %eq3A_7 = vector.broadcast %broadcast_in_dim3A_6 : vector<2048x1xi32> to vector<2048x8xi32>
    %eq3A_8 = arith.cmpi eq, %iota3A, %eq3A_7 : vector<2048x8xi32>
    %jit3A_9 = arith.constant 0xFF800000 : f32
    %broadcast_in_dim3A_10 = vector.broadcast %jit3A_9 : f32 to vector<2048x8xf32>
    %select_n3A_11 = arith.select %eq3A_8, %broadcast_in_dim3A_10, %get3A_1 : vector<2048x8xi1>, vector<2048x8xf32>
    %reduce_max3A_12 = arith.constant dense<0xFF800000> : vector<2048xf32>
    %reduce_max3A_13 = vector.multi_reduction <maximumf>, %select_n3A_11, %reduce_max3A_12 [1] : vector<2048x8xf32> to vector<2048xf32>
    %broadcast_in_dim3A_14 = vector.shape_cast %reduce_max3A_13 : vector<2048xf32> to vector<2048x1xf32>
    %eq3A_15 = vector.broadcast %broadcast_in_dim3A_14 : vector<2048x1xf32> to vector<2048x8xf32>
    %eq3A_16 = arith.cmpf oeq, %select_n3A_11, %eq3A_15 : vector<2048x8xf32>
    %jit3A_17 = arith.constant 8 : i32
    %broadcast_in_dim3A_18 = vector.broadcast %jit3A_17 : i32 to vector<2048x8xi32>
    %select_n3A_19 = arith.select %eq3A_16, %iota3A, %broadcast_in_dim3A_18 : vector<2048x8xi1>, vector<2048x8xi32>
    %reduce_min3A_20 = arith.constant dense<2147483647> : vector<2048xi32>
    %reduce_min3A_21 = vector.multi_reduction <minsi>, %select_n3A_19, %reduce_min3A_20 [1] : vector<2048x8xi32> to vector<2048xi32>
    %broadcast_in_dim3A_22 = vector.shape_cast %reduce_min3A_21 : vector<2048xi32> to vector<2048x1xi32>
    %sub3A = arith.subf %broadcast_in_dim3A_14, %broadcast_in_dim3A : vector<2048x1xf32>
    %exp3A = math.exp %sub3A : vector<2048x1xf32>
    %add3A = arith.constant 1.000000e+00 : f32
    %add3A_23 = vector.broadcast %add3A : f32 to vector<2048x1xf32>
    %add3A_24 = arith.addf %add3A_23, %exp3A : vector<2048x1xf32>
    %div3A = arith.constant 1.000000e+00 : f32
    %div3A_25 = vector.broadcast %div3A : f32 to vector<2048x1xf32>
    %div3A_26 = arith.divf %div3A_25, %add3A_24 : vector<2048x1xf32>
    %add3A_27 = arith.constant 1.000000e+00 : f32
    %add3A_28 = vector.broadcast %add3A_27 : f32 to vector<2048x1xf32>
    %add3A_29 = arith.addf %add3A_28, %exp3A : vector<2048x1xf32>
    %div3A_30 = arith.divf %exp3A, %add3A_29 : vector<2048x1xf32>
    %sub3A_31 = vector.broadcast %broadcast_in_dim3A : vector<2048x1xf32> to vector<2048x8xf32>
    %sub3A_32 = arith.subf %get3A_1, %sub3A_31 : vector<2048x8xf32>
    %exp3A_33 = math.exp %sub3A_32 : vector<2048x8xf32>
    %reduce_sum3A = arith.constant dense<0.000000e+00> : vector<2048xf32>
    %reduce_sum3A_34 = vector.multi_reduction <add>, %exp3A_33, %reduce_sum3A [1] : vector<2048x8xf32> to vector<2048xf32>
    %broadcast_in_dim3A_35 = vector.shape_cast %reduce_sum3A_34 : vector<2048xf32> to vector<2048x1xf32>
    %div3A_36 = vector.broadcast %broadcast_in_dim3A_35 : vector<2048x1xf32> to vector<2048x8xf32>
    %div3A_37 = arith.divf %exp3A_33, %div3A_36 : vector<2048x8xf32>
    %reduce_sum3A_38 = arith.constant dense<0.000000e+00> : vector<8xf32>
    %reduce_sum3A_39 = vector.multi_reduction <add>, %div3A_37, %reduce_sum3A_38 [0] : vector<2048x8xf32> to vector<8xf32>
    %broadcast_in_dim3A_40 = vector.shape_cast %reduce_sum3A_39 : vector<8xf32> to vector<1x8xf32>
    %div3A_41 = arith.constant 2.048000e+03 : f32
    %div3A_42 = vector.broadcast %div3A_41 : f32 to vector<1x8xf32>
    %div3A_43 = arith.divf %broadcast_in_dim3A_40, %div3A_42 : vector<1x8xf32>
    %eq3A_44 = vector.broadcast %broadcast_in_dim3A_6 : vector<2048x1xi32> to vector<2048x8xi32>
    %eq3A_45 = arith.cmpi eq, %iota3A, %eq3A_44 : vector<2048x8xi32>
    %convert_element_type3A = arith.extui %eq3A_45 : vector<2048x8xi1> to vector<2048x8xi32>
    %convert_element_type3A_46 = arith.sitofp %convert_element_type3A : vector<2048x8xi32> to vector<2048x8xf32>
    %eq3A_47 = vector.broadcast %broadcast_in_dim3A_22 : vector<2048x1xi32> to vector<2048x8xi32>
    %eq3A_48 = arith.cmpi eq, %iota3A, %eq3A_47 : vector<2048x8xi32>
    %convert_element_type3A_49 = arith.extui %eq3A_48 : vector<2048x8xi1> to vector<2048x8xi32>
    %convert_element_type3A_50 = arith.sitofp %convert_element_type3A_49 : vector<2048x8xi32> to vector<2048x8xf32>
    %add3A_51 = arith.addf %convert_element_type3A_46, %convert_element_type3A_50 : vector<2048x8xf32>
    %reduce_sum3A_52 = arith.constant dense<0.000000e+00> : vector<8xf32>
    %reduce_sum3A_53 = vector.multi_reduction <add>, %add3A_51, %reduce_sum3A_52 [0] : vector<2048x8xf32> to vector<8xf32>
    %broadcast_in_dim3A_54 = vector.shape_cast %reduce_sum3A_53 : vector<8xf32> to vector<1x8xf32>
    %mul3A = arith.mulf %div3A_43, %broadcast_in_dim3A_54 : vector<1x8xf32>
    %reduce_sum3A_55 = vector.shape_cast %mul3A : vector<1x8xf32> to vector<1x1x8xf32>
    %reduce_sum3A_56 = arith.constant dense<0.000000e+00> : vector<1xf32>
    %reduce_sum3A_57 = vector.multi_reduction <add>, %reduce_sum3A_55, %reduce_sum3A_56 [1, 2] : vector<1x1x8xf32> to vector<1xf32>
    %reduce_sum3A_58 = vector.shape_cast %reduce_sum3A_57 : vector<1xf32> to vector<1x1x1xf32>
    %reduce_sum3A_59 = vector.extract %reduce_sum3A_58[0, 0, 0] : f32 from vector<1x1x1xf32>
    %mul3A_60 = arith.constant 8.000000e+00 : f32
    %mul3A_61 = arith.mulf %mul3A_60, %reduce_sum3A_59 : f32
    %div3A_62 = arith.constant 4.096000e+03 : f32
    %div3A_63 = arith.divf %mul3A_61, %div3A_62 : f32
    %reshape3A = vector.broadcast %div3A_63 : f32 to vector<1x1xf32>
    %swap3A = arith.constant 0 : index
    %swap3A_64 = arith.constant 0 : index
    %swap3A_65 = vector.load %arg3[%swap3A, %swap3A_64] : memref<1x1xf32, #tpu.memory_space<vmem>>, vector<1x1xf32>
    tpu.vector_store %arg3[%swap3A, %swap3A_64], %reshape3A {strides = array<i32>} : memref<1x1xf32, #tpu.memory_space<vmem>>, vector<1x1xf32>,
    %broadcast_in_dim3A_66 = arith.constant 0.000000e+00 : f32
    %broadcast_in_dim3A_67 = vector.broadcast %broadcast_in_dim3A_66 : f32 to vector<1x8xf32>
    %slice3A = vector.extract_strided_slice %add3A_51 {offsets = [0, 0], sizes = [2047, 8], strides = [1, 1]} : vector<2048x8xf32> to vector<2047x8xf32>
    %concatenate3A = tpu.concatenate %broadcast_in_dim3A_67, %slice3A in 0 : vector<1x8xf32>, vector<2047x8xf32> -> vector<2048x8xf32>
    %add3A_68 = arith.addf %add3A_51, %concatenate3A : vector<2048x8xf32>
    %broadcast_in_dim3A_69 = arith.constant 0.000000e+00 : f32
    %broadcast_in_dim3A_70 = vector.broadcast %broadcast_in_dim3A_69 : f32 to vector<2x8xf32>
    %slice3A_71 = vector.extract_strided_slice %add3A_68 {offsets = [0, 0], sizes = [2046, 8], strides = [1, 1]} : vector<2048x8xf32> to vector<2046x8xf32>
    %concatenate3A_72 = tpu.concatenate %broadcast_in_dim3A_70, %slice3A_71 in 0 : vector<2x8xf32>, vector<2046x8xf32> -> vector<2048x8xf32>
    %add3A_73 = arith.addf %add3A_68, %concatenate3A_72 : vector<2048x8xf32>
    %broadcast_in_dim3A_74 = arith.constant 0.000000e+00 : f32
    %broadcast_in_dim3A_75 = vector.broadcast %broadcast_in_dim3A_74 : f32 to vector<4x8xf32>
    %slice3A_76 = vector.extract_strided_slice %add3A_73 {offsets = [0, 0], sizes = [2044, 8], strides = [1, 1]} : vector<2048x8xf32> to vector<2044x8xf32>
    %concatenate3A_77 = tpu.concatenate %broadcast_in_dim3A_75, %slice3A_76 in 0 : vector<4x8xf32>, vector<2044x8xf32> -> vector<2048x8xf32>
    %add3A_78 = arith.addf %add3A_73, %concatenate3A_77 : vector<2048x8xf32>
    %broadcast_in_dim3A_79 = arith.constant 0.000000e+00 : f32
    %broadcast_in_dim3A_80 = vector.broadcast %broadcast_in_dim3A_79 : f32 to vector<8x8xf32>
    %slice3A_81 = vector.extract_strided_slice %add3A_78 {offsets = [0, 0], sizes = [2040, 8], strides = [1, 1]} : vector<2048x8xf32> to vector<2040x8xf32>
    %concatenate3A_82 = tpu.concatenate %broadcast_in_dim3A_80, %slice3A_81 in 0 : vector<8x8xf32>, vector<2040x8xf32> -> vector<2048x8xf32>
    %add3A_83 = arith.addf %add3A_78, %concatenate3A_82 : vector<2048x8xf32>
    %broadcast_in_dim3A_84 = arith.constant 0.000000e+00 : f32
    %broadcast_in_dim3A_85 = vector.broadcast %broadcast_in_dim3A_84 : f32 to vector<16x8xf32>
    %slice3A_86 = vector.extract_strided_slice %add3A_83 {offsets = [0, 0], sizes = [2032, 8], strides = [1, 1]} : vector<2048x8xf32> to vector<2032x8xf32>
    %concatenate3A_87 = tpu.concatenate %broadcast_in_dim3A_85, %slice3A_86 in 0 : vector<16x8xf32>, vector<2032x8xf32> -> vector<2048x8xf32>
    %add3A_88 = arith.addf %add3A_83, %concatenate3A_87 : vector<2048x8xf32>
    %broadcast_in_dim3A_89 = arith.constant 0.000000e+00 : f32
    %broadcast_in_dim3A_90 = vector.broadcast %broadcast_in_dim3A_89 : f32 to vector<32x8xf32>
    %slice3A_91 = vector.extract_strided_slice %add3A_88 {offsets = [0, 0], sizes = [2016, 8], strides = [1, 1]} : vector<2048x8xf32> to vector<2016x8xf32>
    %concatenate3A_92 = tpu.concatenate %broadcast_in_dim3A_90, %slice3A_91 in 0 : vector<32x8xf32>, vector<2016x8xf32> -> vector<2048x8xf32>
    %add3A_93 = arith.addf %add3A_88, %concatenate3A_92 : vector<2048x8xf32>
    %broadcast_in_dim3A_94 = arith.constant 0.000000e+00 : f32
    %broadcast_in_dim3A_95 = vector.broadcast %broadcast_in_dim3A_94 : f32 to vector<64x8xf32>
    %slice3A_96 = vector.extract_strided_slice %add3A_93 {offsets = [0, 0], sizes = [1984, 8], strides = [1, 1]} : vector<2048x8xf32> to vector<1984x8xf32>
    %concatenate3A_97 = tpu.concatenate %broadcast_in_dim3A_95, %slice3A_96 in 0 : vector<64x8xf32>, vector<1984x8xf32> -> vector<2048x8xf32>
    %add3A_98 = arith.addf %add3A_93, %concatenate3A_97 : vector<2048x8xf32>
    %broadcast_in_dim3A_99 = arith.constant 0.000000e+00 : f32
    %broadcast_in_dim3A_100 = vector.broadcast %broadcast_in_dim3A_99 : f32 to vector<128x8xf32>
    %slice3A_101 = vector.extract_strided_slice %add3A_98 {offsets = [0, 0], sizes = [1920, 8], strides = [1, 1]} : vector<2048x8xf32> to vector<1920x8xf32>
    %concatenate3A_102 = tpu.concatenate %broadcast_in_dim3A_100, %slice3A_101 in 0 : vector<128x8xf32>, vector<1920x8xf32> -> vector<2048x8xf32>
    %add3A_103 = arith.addf %add3A_98, %concatenate3A_102 : vector<2048x8xf32>
    %broadcast_in_dim3A_104 = arith.constant 0.000000e+00 : f32
    %broadcast_in_dim3A_105 = vector.broadcast %broadcast_in_dim3A_104 : f32 to vector<256x8xf32>
    %slice3A_106 = vector.extract_strided_slice %add3A_103 {offsets = [0, 0], sizes = [1792, 8], strides = [1, 1]} : vector<2048x8xf32> to vector<1792x8xf32>
    %concatenate3A_107 = tpu.concatenate %broadcast_in_dim3A_105, %slice3A_106 in 0 : vector<256x8xf32>, vector<1792x8xf32> -> vector<2048x8xf32>
    %add3A_108 = arith.addf %add3A_103, %concatenate3A_107 : vector<2048x8xf32>
    %broadcast_in_dim3A_109 = arith.constant 0.000000e+00 : f32
    %broadcast_in_dim3A_110 = vector.broadcast %broadcast_in_dim3A_109 : f32 to vector<512x8xf32>
    %slice3A_111 = vector.extract_strided_slice %add3A_108 {offsets = [0, 0], sizes = [1536, 8], strides = [1, 1]} : vector<2048x8xf32> to vector<1536x8xf32>
    %concatenate3A_112 = tpu.concatenate %broadcast_in_dim3A_110, %slice3A_111 in 0 : vector<512x8xf32>, vector<1536x8xf32> -> vector<2048x8xf32>
    %add3A_113 = arith.addf %add3A_108, %concatenate3A_112 : vector<2048x8xf32>
    %broadcast_in_dim3A_114 = arith.constant 0.000000e+00 : f32
    %broadcast_in_dim3A_115 = vector.broadcast %broadcast_in_dim3A_114 : f32 to vector<1024x8xf32>
    %slice3A_116 = vector.extract_strided_slice %add3A_113 {offsets = [0, 0], sizes = [1024, 8], strides = [1, 1]} : vector<2048x8xf32> to vector<1024x8xf32>
    %concatenate3A_117 = tpu.concatenate %broadcast_in_dim3A_115, %slice3A_116 in 0 : vector<1024x8xf32>, vector<1024x8xf32> -> vector<2048x8xf32>
    %add3A_118 = arith.addf %add3A_113, %concatenate3A_117 : vector<2048x8xf32>
    %sub3A_119 = arith.subf %add3A_118, %add3A_51 : vector<2048x8xf32>
    %mul3A_120 = arith.mulf %sub3A_119, %convert_element_type3A_46 : vector<2048x8xf32>
    %reduce_sum3A_121 = arith.constant dense<0.000000e+00> : vector<2048xf32>
    %reduce_sum3A_122 = vector.multi_reduction <add>, %mul3A_120, %reduce_sum3A_121 [1] : vector<2048x8xf32> to vector<2048xf32>
    %broadcast_in_dim3A_123 = vector.shape_cast %reduce_sum3A_122 : vector<2048xf32> to vector<2048x1xf32>
    %convert_element_type3A_124 = arith.fptosi %broadcast_in_dim3A_123 : vector<2048x1xf32> to vector<2048x1xi32>
    %mul3A_125 = arith.mulf %sub3A_119, %convert_element_type3A_50 : vector<2048x8xf32>
    %reduce_sum3A_126 = arith.constant dense<0.000000e+00> : vector<2048xf32>
    %reduce_sum3A_127 = vector.multi_reduction <add>, %mul3A_125, %reduce_sum3A_126 [1] : vector<2048x8xf32> to vector<2048xf32>
    %broadcast_in_dim3A_128 = vector.shape_cast %reduce_sum3A_127 : vector<2048xf32> to vector<2048x1xf32>
    %convert_element_type3A_129 = arith.fptosi %broadcast_in_dim3A_128 : vector<2048x1xf32> to vector<2048x1xi32>
    %lt3A = arith.constant 640 : i32
    %lt3A_130 = vector.broadcast %lt3A : i32 to vector<2048x1xi32>
    %lt3A_131 = arith.cmpi slt, %convert_element_type3A_124, %lt3A_130 : vector<2048x1xi32>
    %lt3A_132 = arith.constant 640 : i32
    %lt3A_133 = vector.broadcast %lt3A_132 : i32 to vector<2048x1xi32>
    %lt3A_134 = arith.cmpi slt, %convert_element_type3A_129, %lt3A_133 : vector<2048x1xi32>
    %mul3A_135 = arith.constant 640 : i32
    %mul3A_136 = vector.broadcast %mul3A_135 : i32 to vector<2048x1xi32>
    %mul3A_137 = arith.muli %broadcast_in_dim3A_6, %mul3A_136 : vector<2048x1xi32>
    %min3A = arith.constant 639 : i32
    %min3A_138 = vector.broadcast %min3A : i32 to vector<2048x1xi32>
    %min3A_139 = arith.minsi %convert_element_type3A_124, %min3A_138 : vector<2048x1xi32>
    %add3A_140 = arith.addi %mul3A_137, %min3A_139 : vector<2048x1xi32>
    %jit3A_141 = arith.constant 5120 : i32
    %broadcast_in_dim3A_142 = vector.broadcast %jit3A_141 : i32 to vector<2048x1xi32>
    %select_n3A_143 = arith.select %lt3A_131, %add3A_140, %broadcast_in_dim3A_142 : vector<2048x1xi1>, vector<2048x1xi32>
    %mul3A_144 = arith.constant 640 : i32
    %mul3A_145 = vector.broadcast %mul3A_144 : i32 to vector<2048x1xi32>
    %mul3A_146 = arith.muli %broadcast_in_dim3A_22, %mul3A_145 : vector<2048x1xi32>
    %min3A_147 = arith.constant 639 : i32
    %min3A_148 = vector.broadcast %min3A_147 : i32 to vector<2048x1xi32>
    %min3A_149 = arith.minsi %convert_element_type3A_129, %min3A_148 : vector<2048x1xi32>
    %add3A_150 = arith.addi %mul3A_146, %min3A_149 : vector<2048x1xi32>
    %jit3A_151 = arith.constant 5120 : i32
    %broadcast_in_dim3A_152 = vector.broadcast %jit3A_151 : i32 to vector<2048x1xi32>
    %select_n3A_153 = arith.select %lt3A_134, %add3A_150, %broadcast_in_dim3A_152 : vector<2048x1xi1>, vector<2048x1xi32>
    %concatenate3A_154 = tpu.concatenate %select_n3A_143, %select_n3A_153 in 1 : vector<2048x1xi32>, vector<2048x1xi32> -> vector<2048x2xi32>
    %swap3A_155 = arith.constant 0 : index
    %swap3A_156 = arith.constant 0 : index
    %swap3A_157 = vector.load %arg1[%swap3A_155, %swap3A_156] : memref<2048x2xi32, #tpu.memory_space<vmem>>, vector<2048x2xi32>
    tpu.vector_store %arg1[%swap3A_155, %swap3A_156], %concatenate3A_154 {strides = array<i32>} : memref<2048x2xi32, #tpu.memory_space<vmem>>, vector<2048x2xi32>,
    %jit3A_158 = arith.constant 0.000000e+00 : f32
    %broadcast_in_dim3A_159 = vector.broadcast %jit3A_158 : f32 to vector<2048x1xf32>
    %select_n3A_160 = arith.select %lt3A_131, %div3A_26, %broadcast_in_dim3A_159 : vector<2048x1xi1>, vector<2048x1xf32>
    %jit3A_161 = arith.constant 0.000000e+00 : f32
    %broadcast_in_dim3A_162 = vector.broadcast %jit3A_161 : f32 to vector<2048x1xf32>
    %select_n3A_163 = arith.select %lt3A_134, %div3A_30, %broadcast_in_dim3A_162 : vector<2048x1xi1>, vector<2048x1xf32>
    %concatenate3A_164 = tpu.concatenate %select_n3A_160, %select_n3A_163 in 1 : vector<2048x1xf32>, vector<2048x1xf32> -> vector<2048x2xf32>
    %swap3A_165 = arith.constant 0 : index
    %swap3A_166 = arith.constant 0 : index
    %swap3A_167 = vector.load %arg2[%swap3A_165, %swap3A_166] : memref<2048x2xf32, #tpu.memory_space<vmem>>, vector<2048x2xf32>
    tpu.vector_store %arg2[%swap3A_165, %swap3A_166], %concatenate3A_164 {strides = array<i32>} : memref<2048x2xf32, #tpu.memory_space<vmem>>, vector<2048x2xf32>,
    return
  }
}

module attributes {stable_mosaic.version = 14 : i64} {
  func.func @_ffn_body(%arg0: i32, %arg1: i32, %arg2: memref<640x1024xf32, #tpu.memory_space<vmem>>, %arg3: memref<1x1024x1024xf32, #tpu.memory_space<vmem>>, %arg4: memref<1x1024x1024xf32, #tpu.memory_space<vmem>>, %arg5: memref<640x1024xf32, #tpu.memory_space<vmem>>) attributes {dimension_semantics = [#tpu.dimension_semantics<arbitrary>, #tpu.dimension_semantics<arbitrary>], iteration_bounds = array<i64: 8, 4>, scalar_prefetch = 0 : i64, scratch_operands = 0 : i64, tpu.core_type = #tpu.core_type<tc>, window_params = [{transform_indices = @transform_0, window_bounds = array<i64: 640, 1024>}, {transform_indices = @transform_1, window_bounds = array<i64: 1, 1024, 1024>}, {transform_indices = @transform_2, window_bounds = array<i64: 1, 1024, 1024>}, {transform_indices = @transform_3, window_bounds = array<i64: 640, 1024>}]} {
    %get3A = arith.constant 0 : index
    %get3A_0 = arith.constant 0 : index
    %get3A_1 = vector.load %arg2[%get3A, %get3A_0] : memref<640x1024xf32, #tpu.memory_space<vmem>>, vector<640x1024xf32>
    %get3A_2 = arith.constant 0 : index
    %get3A_3 = arith.constant 0 : index
    %get3A_4 = arith.constant 0 : index
    %get3A_5 = vector.load %arg3[%get3A_2, %get3A_3, %get3A_4] : memref<1x1024x1024xf32, #tpu.memory_space<vmem>>, vector<1x1024x1024xf32>
    %get3A_6 = vector.shape_cast %get3A_5 : vector<1x1024x1024xf32> to vector<1024x1024xf32>
    %dot_general3A = arith.constant dense<0.000000e+00> : vector<640x1024xf32>
    %dot_general3A_7 = tpu.matmul %get3A_1, %get3A_6, %dot_general3A {dimension_numbers = #tpu.dot_dimension_numbers<[1], [0], [0], [1], [0, 0, 1, 1], [], []>, transpose_lhs_hint = false} : vector<640x1024xf32>, vector<1024x1024xf32>, vector<640x1024xf32> -> vector<640x1024xf32>
    %integer_pow3A = arith.mulf %dot_general3A_7, %dot_general3A_7 : vector<640x1024xf32>
    %integer_pow3A_8 = arith.mulf %dot_general3A_7, %integer_pow3A : vector<640x1024xf32>
    %mul3A = arith.constant 4.471500e-02 : f32
    %mul3A_9 = vector.broadcast %mul3A : f32 to vector<640x1024xf32>
    %mul3A_10 = arith.mulf %mul3A_9, %integer_pow3A_8 : vector<640x1024xf32>
    %add3A = arith.addf %dot_general3A_7, %mul3A_10 : vector<640x1024xf32>
    %mul3A_11 = arith.constant 0.797884583 : f32
    %mul3A_12 = vector.broadcast %mul3A_11 : f32 to vector<640x1024xf32>
    %mul3A_13 = arith.mulf %mul3A_12, %add3A : vector<640x1024xf32>
    %tanh3A = math.tanh %mul3A_13 : vector<640x1024xf32>
    %add3A_14 = arith.constant 1.000000e+00 : f32
    %add3A_15 = vector.broadcast %add3A_14 : f32 to vector<640x1024xf32>
    %add3A_16 = arith.addf %add3A_15, %tanh3A : vector<640x1024xf32>
    %mul3A_17 = arith.constant 5.000000e-01 : f32
    %mul3A_18 = vector.broadcast %mul3A_17 : f32 to vector<640x1024xf32>
    %mul3A_19 = arith.mulf %mul3A_18, %add3A_16 : vector<640x1024xf32>
    %mul3A_20 = arith.mulf %dot_general3A_7, %mul3A_19 : vector<640x1024xf32>
    %get3A_21 = arith.constant 0 : index
    %get3A_22 = arith.constant 0 : index
    %get3A_23 = arith.constant 0 : index
    %get3A_24 = vector.load %arg4[%get3A_21, %get3A_22, %get3A_23] : memref<1x1024x1024xf32, #tpu.memory_space<vmem>>, vector<1x1024x1024xf32>
    %get3A_25 = vector.shape_cast %get3A_24 : vector<1x1024x1024xf32> to vector<1024x1024xf32>
    %dot_general3A_26 = arith.constant dense<0.000000e+00> : vector<640x1024xf32>
    %dot_general3A_27 = tpu.matmul %mul3A_20, %get3A_25, %dot_general3A_26 {dimension_numbers = #tpu.dot_dimension_numbers<[1], [0], [0], [1], [0, 0, 1, 1], [], []>, transpose_lhs_hint = false} : vector<640x1024xf32>, vector<1024x1024xf32>, vector<640x1024xf32> -> vector<640x1024xf32>
    %eq3A = arith.constant 0 : i32
    %eq3A_28 = arith.cmpi eq, %arg1, %eq3A : i32
    %convert_element_type3A = arith.extui %eq3A_28 : i1 to i32
    %cond3A = arith.constant 0 : i32
    %cond3A_29 = arith.cmpi ne, %convert_element_type3A, %cond3A : i32
    scf.if %cond3A_29 {
      %swap3A = arith.constant 0 : index
      %swap3A_34 = arith.constant 0 : index
      %swap3A_35 = vector.load %arg5[%swap3A, %swap3A_34] : memref<640x1024xf32, #tpu.memory_space<vmem>>, vector<640x1024xf32>
      tpu.vector_store %arg5[%swap3A, %swap3A_34], %dot_general3A_27 {strides = array<i32>} : memref<640x1024xf32, #tpu.memory_space<vmem>>, vector<640x1024xf32>,
    } else {
    }
    %ne3A = arith.constant 0 : i32
    %ne3A_30 = arith.cmpi ne, %arg1, %ne3A : i32
    %convert_element_type3A_31 = arith.extui %ne3A_30 : i1 to i32
    %cond3A_32 = arith.constant 0 : i32
    %cond3A_33 = arith.cmpi ne, %convert_element_type3A_31, %cond3A_32 : i32
    scf.if %cond3A_33 {
      %get3A_34 = arith.constant 0 : index
      %get3A_35 = arith.constant 0 : index
      %get3A_36 = vector.load %arg5[%get3A_34, %get3A_35] : memref<640x1024xf32, #tpu.memory_space<vmem>>, vector<640x1024xf32>
      %add3A_37 = arith.addf %get3A_36, %dot_general3A_27 : vector<640x1024xf32>
      %swap3A = arith.constant 0 : index
      %swap3A_38 = arith.constant 0 : index
      %swap3A_39 = vector.load %arg5[%swap3A, %swap3A_38] : memref<640x1024xf32, #tpu.memory_space<vmem>>, vector<640x1024xf32>
      tpu.vector_store %arg5[%swap3A, %swap3A_38], %add3A_37 {strides = array<i32>} : memref<640x1024xf32, #tpu.memory_space<vmem>>, vector<640x1024xf32>,
    } else {
    }
    return
  }
  func.func @transform_0(%arg0: i32, %arg1: i32) -> (i32, i32) {
    %c0_i32 = arith.constant 0 : i32
    %c0_i32_0 = arith.constant 0 : i32
    return %arg0, %c0_i32 : i32, i32
  }
  func.func @transform_1(%arg0: i32, %arg1: i32) -> (i32, i32, i32) {
    %c0_i32 = arith.constant 0 : i32
    %c0_i32_0 = arith.constant 0 : i32
    return %arg0, %c0_i32, %arg1 : i32, i32, i32
  }
  func.func @transform_2(%arg0: i32, %arg1: i32) -> (i32, i32, i32) {
    %c0_i32 = arith.constant 0 : i32
    %c0_i32_0 = arith.constant 0 : i32
    return %arg0, %arg1, %c0_i32 : i32, i32, i32
  }
  func.func @transform_3(%arg0: i32, %arg1: i32) -> (i32, i32) {
    %c0_i32 = arith.constant 0 : i32
    %c0_i32_0 = arith.constant 0 : i32
    return %arg0, %c0_i32 : i32, i32
  }
}

</mosaic_0001>

<sc_bundles>
// kernel: gather_offload_async_start
scs
__scs_entry_jumppad:
0x0: {  	(pc) =	sbr.rel $0x88, $3  }
0x1: {  	(tag) =	ssettag $0x0;
	lr =	simm.s32 $0x1  }
0x2: {  	[smem:$0x3F9D] =	sst lr;
	_ =	strace $0xD0000000  }
0x3: {  	_ = 	snop  }
0x4: {  	_ = 	snop  }
0x5: {  	_ = 	snop  }
0x6: {  	_ = 	snop  }
0x7: {  	_ = 	snop  }
__scs_overlays_trampoline_lowered:
0x8: {  	[smem:$0x3FAC] =	sst s0  }
0x9: {  	[smem:$0x3FAD] =	sst s1  }
0xa: {  	[smem:$0x3FAE] =	sst s2  }
0xb: {  	[smem:$0x3FAF] =	sst s3  }
0xc: {  	[smem:$0x3FB0] =	sst s4  }
0xd: {  	[smem:$0x3FB1] =	sst s5  }
0xe: {  	[smem:$0x3FB2] =	sst s6  }
0xf: {  	[smem:$0x3FB3] =	sst s7  }
0x10: {  	[smem:$0x3FB4] =	sst s8  }
0x11: {  	[smem:$0x3FB5] =	sst s9;
	s0 =	simm.s32 @!p0 $0x0  }
0x12: {  	s1 =	sld [smem:$0x3F9B];
	s0 =	simm.s32 @p0 $0x1  }
0x13: {  	[smem:$0x3FB6] =	sst s0;
	s0 =	simm.s32 @!p1 $0x0  }
0x14: {  	s2 =	sld [smem:$0x3F9A];
	s0 =	simm.s32 @p1 $0x1  }
0x15: {  	[smem:$0x3FB7] =	sst s0;
	s0 =	simm.s32 @!p2 $0x0  }
0x16: {  	s3 =	sld [smem:$0x3FDB];
	s0 =	simm.s32 @p2 $0x1  }
0x17: {  	s4 =	simm.s32 $0x1BF5;
	[smem:$0x3FB9] =	sst s0  }
0x18: {  	s0 =	sld [smem:$0x3F9C];
	_ =	swait.ge [sflag:s4], $0x0  }
0x19: {  	s7 =	sld [smem:$0x3F9D]  }
0x1a: {  	s8 =	sadd.s32 $0xFFFFE003, lr  }
0x1b: {  	s9 =	sadd.s32 $0xFFFFFEF7, lr;
	s5 =	simm.s32 $0xFFFFFFFF;
	p2 =	slt.u32 s8, $0xFFFFF086  }
0x1c: {  	p1 =	slt.u32 s9, $0xF7A;
	s5 =	simm.s32 @!p2 $0x0  }
0x1d: {  	s5 =	simm.s32 @p1 $0x1;
	p0 =	seq.s32 s7, s2  }
0x1e: {  	s7 =	smul.u32 @!p0 $0xF7A, s2;
	p2 =	seq.s32 @!p0 s5, $0x0  }
0x1f: {  	s9 =	smul.u32 $0xF7A, s1;
	s8 =	simm.s32 @!p0 $0x1BF5;
	p2 =	por !p2, p0  }
0x20: {  	[sflag:s8] =	ssyncset.s32 @!p0 $0xFFFFF086;
	s6 =	sadd.s32 @!p0 s3, s7;
	s7 =	simm.s32 @!p0 $0x108  }
0x21: {  	s3 =	sadd.s32 s3, s9;
	s6 =	sadd.s32 @!p0 $0x88, s6;
	s7 =	simm.s32 @p2 $0x1082  }
0x22: {  	[simem:s7], [sflag:s8] =	dma.local @!p0 [hbm:s6], $0xF7A  }
0x23: {  	s9 =	sor.u32 $0xD0000000, s2;
	s6 =	simm.s32 $0x108;
	_ =	swait.ge @!p0 [sflag:s8], $0x0  }
0x24: {  	s3 =	sadd.s32 $0x88, s3;
	s6 =	simm.s32 @!p1 $0x1082;
	[sflag:s4] =	ssyncset.s32 $0xFFFFF086  }
0x25: {  	[simem:s6], [sflag:s4] =	dma.local [hbm:s3], $0xF7A  }
0x26: {  	[smem:$0x3F9D] =	sst s1;
	(tag) =	ssettag s2;
	_ =	strace s9  }
0x27: {  	s1 =	sld [smem:$0x3FAD]  }
0x28: {  	s2 =	sld [smem:$0x3FAE]  }
0x29: {  	s4 =	sld [smem:$0x3FB0]  }
0x2a: {  	p0 =	seq.s32 s5, $0x0;
	s5 =	sld [smem:$0x3FB1]  }
0x2b: {  	s6 =	sld [smem:$0x3FB2]  }
0x2c: {  	s7 =	sld [smem:$0x3FB3]  }
0x2d: {  	s3 =	simm.s32 $0x108;
	s8 =	sld [smem:$0x3FB4]  }
0x2e: {  	s3 =	simm.s32 @!p0 $0x1082;
	s9 =	sld [smem:$0x3FB5]  }
0x2f: {  	lr =	sadd.s32 s0, s3;
	s0 =	sld [smem:$0x3FAC]  }
0x30: {  	s3 =	sld [smem:$0x3FAF]  }
0x31: {  	[smem:$0x3FB8] =	sst s10  }
0x32: {  	s10 =	sld [smem:$0x3FB6];
	_ =	sdelay $0x3  }
0x33: {  	p0 =	seq.s32 s10, $0x1;
	s10 =	sld [smem:$0x3FB8];
	_ =	sdelay $0x3  }
0x34: {  	[smem:$0x3FB8] =	sst s10  }
0x35: {  	s10 =	sld [smem:$0x3FB7];
	_ =	sdelay $0x3  }
0x36: {  	p1 =	seq.s32 s10, $0x1;
	s10 =	sld [smem:$0x3FB8];
	_ =	sdelay $0x3  }
0x37: {  	[smem:$0x3FB8] =	sst s10  }
0x38: {  	s10 =	sld [smem:$0x3FB9]  }
0x39: {  	_ = 	snop;
	(pc) =	sbr.ind lr, $3  }
0x3a: {  	_ = 	snop  }
0x3b: {  	_ = 	snop  }
0x3c: {  	p2 =	seq.s32 s10, $0x1;
	s10 =	sld [smem:$0x3FB8]  }
0x3d: {  	_ =	shalt  }
0x3e: {  	_ =	shalt  }
0x3f: {  	_ =	shalt  }
0x40: {  	_ =	shalt  }
0x41: {  	_ =	shalt  }
0x42: {  	_ =	shalt  }
0x43: {  	_ =	shalt  }
0x44: {  	_ =	shalt  }
0x45: {  	_ =	shalt  }
0x46: {  	_ =	shalt  }
0x47: {  	_ =	shalt  }
0x48: {  	_ =	shalt  }
0x49: {  	_ =	shalt  }
0x4a: {  	_ =	shalt  }
0x4b: {  	_ =	shalt  }
0x4c: {  	_ =	shalt  }
0x4d: {  	_ =	shalt  }
0x4e: {  	_ =	shalt  }
0x4f: {  	_ =	shalt  }
0x50: {  	_ =	shalt  }
0x51: {  	_ =	shalt  }
0x52: {  	_ =	shalt  }
0x53: {  	_ =	shalt  }
0x54: {  	_ =	shalt  }
0x55: {  	_ =	shalt  }
0x56: {  	_ =	shalt  }
0x57: {  	_ =	shalt  }
0x58: {  	_ =	shalt  }
0x59: {  	_ =	shalt  }
0x5a: {  	_ =	shalt  }
0x5b: {  	_ =	shalt  }
0x5c: {  	_ =	shalt  }
0x5d: {  	_ =	shalt  }
0x5e: {  	_ =	shalt  }
0x5f: {  	_ =	shalt  }
0x60: {  	_ =	shalt  }
0x61: {  	_ =	shalt  }
0x62: {  	_ =	shalt  }
0x63: {  	_ =	shalt  }
0x64: {  	_ =	shalt  }
0x65: {  	_ =	shalt  }
0x66: {  	_ =	shalt  }
0x67: {  	_ =	shalt  }
0x68: {  	_ =	shalt  }
0x69: {  	_ =	shalt  }
0x6a: {  	_ =	shalt  }
0x6b: {  	_ =	shalt  }
0x6c: {  	_ =	shalt  }
0x6d: {  	_ =	shalt  }
0x6e: {  	_ =	shalt  }
0x6f: {  	_ =	shalt  }
0x70: {  	_ =	shalt  }
0x71: {  	_ =	shalt  }
0x72: {  	_ =	shalt  }
0x73: {  	_ =	shalt  }
0x74: {  	_ =	shalt  }
0x75: {  	_ =	shalt  }
0x76: {  	_ =	shalt  }
0x77: {  	_ =	shalt  }
0x78: {  	_ =	shalt  }
0x79: {  	_ =	shalt  }
0x7a: {  	_ =	shalt  }
0x7b: {  	_ =	shalt  }
0x7c: {  	_ =	shalt  }
0x7d: {  	_ =	shalt  }
0x7e: {  	_ =	shalt  }
0x7f: {  	_ =	shalt  }
0x80: {  	_ =	shalt  }
0x81: {  	_ =	shalt  }
0x82: {  	_ =	shalt  }
0x83: {  	_ =	shalt  }
0x84: {  	_ =	shalt  }
0x85: {  	_ =	shalt  }
0x86: {  	_ =	shalt  }
0x87: {  	_ =	shalt  }
.Lfunc_end0:
.L_simem_size_0:
called_computation_lowered:
.L_overlay_start_0:
0x88: {  	s2 =	sld [smem:$0x3FD9]  }
0x89: {  	s3 =	sld [smem:$0x3FFE];
	_ =	sdelay $0x1  }
0x8a: {  	s1 =	srdreg.scid  }
0x8b: {  	s0 =	sand.u32 $0x1, s1  }
0x8c: {  	s16 =	sshll.u32 s0, $0xA;
	s2 =	sadd.s32 s3, s2  }
0x8d: {  	s2 =	sadd.s32 s2, s16  }
0x8e: {  	[smem:$0x3FC4] =	sst s2  }
0x8f: {  	_ = 	snop  }
0x90: {  	(tm) =	ssettm $0x1  }
0x91: {  	s17 =	sld [smem:$0x3FFB];
	_ =	sdelay $0x3  }
0x92: {  	_ =	strace s17  }
0x93: {  	s2 =	sld [smem:$0x3FFC];
	_ =	sdelay $0x3  }
0x94: {  	_ =	strace s2  }
0x95: {  	s2 =	sld [smem:$0x3FFD];
	_ =	sdelay $0x3  }
0x96: {  	_ =	strace s2  }
0x97: {  	_ =	strace $0x8FFFFFFF  }
0x98: {  	s18 =	sld [smem:$0x3FDB];
	_ =	sdelay $0x1  }
0x99: {  	s19 =	simm.s32 $_scs_section_size  }
0x9a: {  	s4 =	simm.s32 $_size__tile_overlayer_lowered;
	s5 =	simm.s32 $_tile_overlayer_lowered  }
0x9b: {  	s22 =	simm.s32 $0x1BFF;
	s21 =	sshll.u32 s5, $0x1;
	s2 =	sadd.s32 s19, s18  }
0x9c: {  	s6 =	simm.s32 $0x0;
	s20 =	sshll.u32 s4, $0x1;
	s4 =	sadd.s32 s21, s2  }
0x9d: {  	[timem:s6], [sflag:s22] =	dma.local [hbm:s4], s20  }
0x9e: {  	_ =	swait.ge [sflag:s22], s20  }
0x9f: {  	s3 =	ssub.s32 $0x0, s20;
	[sflag:s22] =	ssyncset.done $0x0  }
0xa0: {  	[sflag:s22] =	ssyncadd.s32 s3;
	_ =	sdelay $0x1  }
0xa1: {  	s23 =	simm.s32 $0x1B8B  }
0xa2: {  	_ =	swait.ge [sflag:s23], $0x1  }
0xa3: {  	[sflag:s23] =	ssyncset.done $0x0  }
0xa4: {  	s25 =	simm.s32 $0x1B8E;
	s24 =	sld [smem:$0x3FFE];
	[sflag:s23] =	ssyncadd.s32 $0xFFFFFFFF  }
0xa5: {  	s26 =	simm.s32 $execute0_lowered;
	[smem:$0x3FD2] =	sst s25  }
0xa6: {  	s4 =	sshll.u32 s26, $0x1;
	_ =	strace $0x80000046;
	[dreg:$0x1] =	wrdreg $0xFFFFFFFF  }
0xa7: {  	s28 =	simm.s32 $_size_execute0_lowered;
	s2 =	sadd.s32 s2, s4;
	[dreg:$0x0] =	wrdreg $0x0  }
0xa8: {  	s4 =	sshll.u32 s28, $0x1;
	[dreg:$0x2] =	wrdreg s2  }
0xa9: {  	[dreg:$0x3] =	wrdreg s4  }
0xaa: {  	[dreg:$0x4] =	wrdreg $0xC0  }
0xab: {  	_ =	task [dreg:s6], $0x5FFFF  }
0xac: {  	[dreg:$0x1] =	wrdreg $0xFFFFFFFF  }
0xad: {  	[dreg:$0x0] =	wrdreg $0x60  }
0xae: {  	[dreg:$0x2] =	wrdreg s24  }
0xaf: {  	[dreg:$0x3] =	wrdreg $0x9  }
0xb0: {  	_ =	task.clear_ibuf [dreg:s6], $0x4FFFF;
	_ =	strace $0x90000046  }
0xb1: {  	s29 =	simm.s32 $0x9;
	_ =	strace $0x80000048  }
0xb2: {  	_ =	swait.ge [sflag:s29], $0x1  }
0xb3: {  	[sflag:s29] =	ssyncadd.s32 $0xFFFFFFFF  }
0xb4: {  	_ =	strace $0x90000048  }
0xb5: {  	_ =	sfence  }
0xb6: {  	s30 =	sld [smem:$0x0];
	_ =	sdelay $0x2  }
0xb7: {  	s31 =	sshll.u32 s1, $0xD;
	s1 =	sshrl.u32 s1, $0x2  }
0xb8: {  	s3 =	sand.u32 $0x4000, s31;
	s1 =	sadd.s32 s1, s30  }
0xb9: {  	s0 =	sor.u32 s3, s0;
	s1 =	sshll.u32 s1, $0x11  }
0xba: {  	s0 =	sor.u32 s1, s0  }
0xbb: {  	s0 =	sadd.s32 $0x8F2B, s0  }
0xbc: {  	[sflag:s0] =	ssyncadd.remote.s32 $0x1  }
0xbd: {  	_ =	sfence.sel $0xFFFF  }
0xbe: {  	[dreg:$0x0] =	wrdreg $0xFFFFFFFF;
	(pc) =	sbr.abs _section_cstart, $3  }
0xbf: {  	[dreg:$0x1] =	wrdreg $0xFFFFFFFF  }
0xc0: {  	_ =	task.clear_ibuf [dreg:s6], $0x2FFFF;
	_ =	strace $0x9FFFFFFF  }
0xc1: {  	(tm) =	ssettm $0x7FFFFFFF  }
tec
execute0_lowered:
.L_overlay_start_1:
0x0: {  	(tag) =	ssettag $0x1  }
0x1: {  	s7 =	rddreg [dreg:$0x0]  }
0x2: {  	s0 =	rddreg [dreg:$0x1];
	_ =	strace $0x80000047  }
0x3: {  	s1 =	srdreg.scid;
	s4 =	simm.s32 $0x1;
	s9 =	simm.s32 $0x3  }
0x4: {  	s11 =	simm.s32 $0x0;
	p0 =	por $0x0, $0x0;
	s5 =	sshll.u32 s1, $0x4  }
.Ltmp0:
0x5: {  	s1 =	stileid.u32;
	s5 =	sand.u32 $0x10, s5;
	(pc) =	sbr.rel .LBB2_1-.Ltmp0, $4  }
0x6: {  	s2 =	sadd.s32 $0x81000, s7;
	s3 =	sadd.s32 $0x80E00, s7;
	s6 =	sor.u32 s1, s5  }
0x7: {  	[sflag:s4] =	ssyncpa.u1 $0x0;
	s5 =	simm.s32 $0x2;
	s6 =	sshll.u32 s6, $0x7  }
0x8: {  	s7 =	sadd.s32 $0xE00, s7;
	[sflag:s5] =	ssyncpa.u1 $0x0;
	s8 =	sadd.s32 $0x80, s6  }
0x9: {  	vm0 =	vmmov $0xff;
	vm1 =	vcmask $0x3F20;
	[sflag:s9] =	ssyncpa.u1 $0x0;
	s10 =	smov.u32 s6;
	s9 =	simm.s32 $0x0  }
.LBB2_9:
0xa: {  	p1 =	slt.u32 s9, $0x2;
	s11 =	sadd.s32 $0x20, s10  }
0xb: {  	s13 =	smov.u32 s6;
	s9 =	sadd.s32 $0x1, s9;
	p2 =	slt.s32 s11, s8  }
0xc: {  	s13 =	smov.u32 @p2 s11;
	p2 =	sne.s32 s9, $0x6  }
.Ltmp1:
0xd: {  	_ = 	snop;
	(pc) =	sbr.rel @!p2 .LBB2_10-.Ltmp1, $4  }
0xe: {  	s12 =	simm.s32 @!p1 $0x3  }
0xf: {  	_ =	swait.ge @!p1 [sflag:s12], $0x8000  }
0x10: {  	p0 =	por !p0, !p0;
	[sflag:s12] =	ssyncset.done @!p1 $0x0  }
0x11: {  	s11 =	smov.u32 s10;
	s10 =	smov.u32 s13;
	[sflag:s12] =	ssyncadd.s32 @!p1 $0xFFFF8000  }
.LBB2_1:
0x12: {  	p1 =	sgt.u32 s9, $0x3  }
0x13: {  	s12 =	sxor.u32 @!p1 $0xFFFFFFFF, s9  }
0x14: {  	s13 =	sshrl.u32 @!p1 s10, $0x3;
	s12 =	sshll.u32 @!p1 s12, $0x5  }
0x15: {  	s14 =	sand.u32 @!p1 $0x7, s10;
	s13 =	sadd.s32 @!p1 s3, s13;
	s12 =	sand.u32 @!p1 $0x20, s12  }
0x16: {  	[tilespmem:s12], [sflag:$0x2] =	stream.linear.gather @!p1 [hbm4b:s13+s14], $0x20, $0x38;
	[tilespmem:$0x10040] =	vst v63  }
0x17: {  	p1 =	seq.s32 s9, $0x0  }
0x18: {  	p2 =	seq.s32 @!p1 s9, $0x5  }
0x19: {  	p1 =	por p1, p2  }
.Ltmp2:
0x1a: {  	_ = 	snop;
	(pc) =	sbr.rel @p1 .LBB2_9-.Ltmp2, $1  }
0x1b: {  	_ =	sdelay $0x3  }
0x1c: {  	s12 =	simm.s32 $0x1  }
0x1d: {  	_ =	swait.ge [sflag:s5], $0x20;
	s13 =	sand.u32 $0x1, s9;
	s12 =	simm.s32 @!p0 $0x0  }
0x1e: {  	s15 =	simm.s32 $0x0;
	p2 =	por $0x1, $0x1;
	s12 =	sshll.u32 s12, $0x11  }
0x1f: {  	[sflag:s5] =	ssyncset.done $0x0;
	s13 =	sshll.u32 s13, $0x5;
	s14 =	sshrl.u32 s12, $0x2  }
0x20: {  	[sflag:s5] =	ssyncadd.s32 $0xFFFFFFE0;
	s12 =	sor.u32 $0x40, s14;
	s14 =	sadd.s32 $0x40, s14  }
.LBB2_3:
0x21: {  	s16 =	sshll.u32 s15, $0x4  }
0x22: {  	s16 =	sand.u32 $0x3FFFFFF0, s16  }
0x23: {  	s16 =	sadd.s32 s16, s13  }
0x24: {  	v0 =	vld.msk [tilespmem:s16+$0x0 ss:$0x1], $0xffff;
	_ =	sdelay $0x4  }
0x25: {  	vm2 =	vgt.s32 v0, $0x0  }
0x26: {  	v0 =	vnsel vm2, $0x0, v0  }
0x27: {  	v0 =	vmin.u32 v0, $0x1407  }
0x28: {  	v1 =	vshll.u32 v0, $0x7;
	v0 =	vshll.u32 v0, $0x4  }
0x29: {  	v1 =	vand.u32 $0xFFC00, v1;
	v0 =	vand.u32 $0x70, v0  }
0x2a: {  	v0 =	vor.u32 v0, v1  }
0x2b: {  	s31 =	sshll.u32 s15, $0x10  }
0x2c: {  	s15 =	sshra.s32 s31, $0x2  }
0x2d: {  	s15 =	sadd.s32 s15, s14  }
0x2e: {  	s17 =	sadd.s32 $0x0, s15  }
0x2f: {  	[tilespmem:s17], [sflag:$0x1] =	stream.indirect_vreg.gather [hbm:s2], $0x80, v0, vm0, $0x38;
	[tilespmem:$0x10040] =	vst v63  }
0x30: {  	p1 =	por p2, p2;
	s16 =	simm.s32 $0x1000;
	v1 =	vadd.s32 $0x80, v0;
	s17 =	sadd.s32 $0x2000, s17  }
.LBB2_4:
0x31: {  	[tilespmem:s17], [sflag:$0x1] =	stream.indirect_vreg.gather [hbm:s2], $0x80, v0, vm1, $0x38;
	[tilespmem:$0x10040] =	vst v63  }
0x32: {  	v0 =	vmov v1;
	s17 =	smov.u32 s16;
	p2 =	sne.s32 s16, $0x7000  }
.Ltmp3:
0x33: {  	s16 =	sadd.s32 $0x1000, s16;
	(pc) =	sbr.rel @p2 .LBB2_4-.Ltmp3, $4  }
0x34: {  	s17 =	sshra.s32 s17, $0x2  }
0x35: {  	s17 =	sadd.s32 s17, s15  }
0x36: {  	[tilespmem:s17], [sflag:$0x1] =	stream.indirect_vreg.gather [hbm:s2], $0x80, v1, vm0, $0x38;
	[tilespmem:$0x10040] =	vst v63  }
0x37: {  	s17 =	sadd.s32 $0x2000, s17;
	v1 =	vadd.s32 $0x80, v1  }
0x38: {  	_ = 	snop  }
.Ltmp4:
0x39: {  	_ = 	snop;
	(pc) =	sbr.rel @p1 .LBB2_3-.Ltmp4, $3  }
0x3a: {  	_ =	sdelay $0x1  }
0x3b: {  	[tilespmem:s17], [sflag:$0x1] =	stream.indirect_vreg.gather [hbm:s2], $0x80, v0, vm1, $0x38;
	[tilespmem:$0x10040] =	vst v63  }
0x3c: {  	s15 =	simm.s32 $0x1;
	p2 =	por $0x0, $0x0  }
0x3d: {  	s13 =	sshll.u32 s11, $0x7  }
0x3e: {  	s31 =	sshll.u32 s11, $0x4;
	s13 =	sand.u32 $0xFFFFFC00, s13  }
0x3f: {  	_ =	swait.ge [sflag:s4], $0x8000;
	s11 =	sand.u32 $0x70, s31;
	s13 =	sadd.s32 s13, s7  }
0x40: {  	s14 =	sadd.s32 $0x2000, s12;
	[sflag:s4] =	ssyncset.done $0x0;
	s11 =	sadd.s32 s11, s13  }
0x41: {  	[sflag:s4] =	ssyncadd.s32 $0xFFFF8000;
	s13 =	simm.s32 $0x400;
	s15 =	sadd.s32 $0x0, s11  }
.LBB2_7:
0x42: {  	[hbm:s15] =	stream.linear.scatter [tilespmem:s12], [sflag:$0x3], $0x2000, $0x38;
	[tilespmem:$0x10040] =	vst v63  }
0x43: {  	s15 =	smov.u32 s13;
	s12 =	smov.u32 s14;
	p1 =	sne.s32 s13, $0xC00  }
.Ltmp5:
0x44: {  	s13 =	sadd.s32 $0x400, s13;
	(pc) =	sbr.rel @p1 .LBB2_7-.Ltmp5, $2  }
0x45: {  	_ =	sdelay $0x2  }
0x46: {  	s14 =	sadd.s32 $0x2000, s14;
	s15 =	sadd.s32 s15, s11  }
.Ltmp6:
0x47: {  	(pc) =	sbr.rel .LBB2_9-.Ltmp6, $2  }
0x48: {  	_ =	sdelay $0x2  }
0x49: {  	[hbm:s15] =	stream.linear.scatter [tilespmem:s12], [sflag:$0x3], $0x2000, $0x38;
	[tilespmem:$0x10040] =	vst v63  }
.LBB2_10:
0x4a: {  	_ =	sfence.sel $0x180000  }
0x4b: {  	s2 =	simm.s32 $0x2;
	[bflag:$0x0] =	sbarrier.arrive $0xFFFF  }
0x4c: {  	s30 =	simm.s32 $0x3;
	[sflag:s2] =	ssyncpa.u1 $0x1  }
0x4d: {  	s31 =	simm.s32 $0x1;
	[sflag:s30] =	ssyncpa.u1 $0x1  }
0x4e: {  	[sflag:s31] =	ssyncpa.u1 $0x1  }
0x4f: {  	p0 =	sne.s32 s1, $0x0;
	_ =	strace $0x90000047  }
0x50: {  	s0 =	sadd.s32 @!p0 $0x100000, s0;
	[bflag:$0x2] =	sbarrier.arrive $0xFFFF  }
0x51: {  	[sflag:s0] =	ssyncadd.tile.s32 @!p0 $0x1;
	_ =	shalt  }
.Lfunc_end2:
_tile_overlayer_lowered:
.L_overlay_start_2:
0x52: {  	(tag) =	ssettag $0x2  }
0x53: {  	s0 =	rddreg [dreg:$0x0];
	s2 =	stileid.u32  }
0x54: {  	s1 =	rddreg [dreg:$0x1];
	p0 =	sne.s32 s2, $0x0  }
0x55: {  	s3 =	rddreg [dreg:$0x2];
	[bflag:$0x3] =	sbarrier.arrive $0xFFFF;
	s2 =	simm.s32 @!p0 $0x1C01  }
0x56: {  	[timem:s3], [sflag:s2] =	dma.local @!p0 [hbm:s0], s1  }
0x57: {  	s0 =	simm.s32 @!p0 $0x1  }
0x58: {  	_ =	swait.ge @!p0 [sflag:s0], s1  }
0x59: {  	s1 =	ssub.s32 @!p0 $0x0, s1;
	[sflag:s0] =	ssyncset.done @!p0 $0x0  }
0x5a: {  	[sflag:s0] =	ssyncadd.s32 @!p0 s1  }
0x5b: {  	[bflag:$0x3] =	sbarrier.arrive $0xFFFF  }
0x5c: {  	_ =	shalt  }

</sc_bundles>
